<compile_context>
chip_gen: v7x
topology: tpu7x:2x2x1
jax: 0.10.2.dev20260603
libtpu: 0.0.44.dev20260713+nightly
codegen_flags: <defaults>
</compile_context>

<pallas_src>
import functools

import jax
import jax.numpy as jnp
from jax import lax
from jax.experimental import pallas as pl
from jax.experimental.pallas import tpu as pltpu
from jax.experimental.pallas import tpu_sc as plsc

_V = 1_000_000
_L = 16384
_D = 64
_LANES = 16
_NC = 2
_NS = 16
_BPW = _L // (_NC * _NS)
_BLK = 65_536


def _sc_counts(tokens_4d, zeros_hbm):
    mesh = plsc.VectorSubcoreMesh(core_axis_name="c", subcore_axis_name="s")

    @functools.partial(
        pl.kernel,
        out_type=[jax.ShapeDtypeStruct((_V,), jnp.float32),
                  jax.ShapeDtypeStruct((_V,), jnp.float32)],
        mesh=mesh,
        scratch_types=[
            pltpu.VMEM((1, _BPW), jnp.int32),
            pltpu.VMEM((1, _BPW), jnp.float32),
            pltpu.VMEM_SHARED((_V,), jnp.float32),
        ],
    )
    def sc_kernel(tok_hbm, zeros_hbm_ref, out0, out1, idx_v, ones_v,
                  counts_sp):
        c = lax.axis_index("c")
        s = lax.axis_index("s")

        @pl.when(s == 0)
        def _():
            pltpu.sync_copy(zeros_hbm_ref, counts_sp)

        for i in range(0, _BPW, _LANES):
            ones_v[0, pl.ds(i, _LANES)] = jnp.ones((_LANES,), jnp.float32)
        pltpu.sync_copy(tok_hbm.at[c, s], idx_v)

        plsc.subcore_barrier()
        pltpu.sync_copy(ones_v.at[0], counts_sp.at[idx_v.at[0]], add=True)
        plsc.subcore_barrier()

        @pl.when(jnp.logical_and(s == 0, c == 0))
        def _():
            pltpu.sync_copy(counts_sp, out0)

        @pl.when(jnp.logical_and(s == 0, c == 1))
        def _():
            pltpu.sync_copy(counts_sp, out1)

    return sc_kernel(tokens_4d, zeros_hbm)


def _tc_logits(table_t, counts0, counts1, W, b_col):

    def body(p_ref, c0_ref, c1_ref, w_ref, b_ref, o_ref, acc_ref):
        i = pl.program_id(0)

        @pl.when(i == 0)
        def _():
            acc_ref[...] = jnp.zeros_like(acc_ref)

        cb = (c0_ref[...] + c1_ref[...])[None, :]
        last = pl.num_programs(0) - 1

        @pl.when(i < last)
        def _():
            prod = p_ref[...] * cb
            acc_ref[...] += jnp.sum(prod, axis=1, keepdims=True)

        @pl.when(i == last)
        def _():
            lane = jax.lax.broadcasted_iota(jnp.int32, (1, _BLK), 1)
            valid = lane < (_V - i * _BLK)
            prod = jnp.where(valid, p_ref[...] * cb, 0.0)
            acc_ref[...] += jnp.sum(prod, axis=1, keepdims=True)

        @pl.when(i == last)
        def _():
            enc = acc_ref[...] * (1.0 / _L)
            logits = jnp.dot(
                w_ref[...], enc,
                preferred_element_type=jnp.float32) + b_ref[...]
            o_ref[...] = logits[:, 0]

    return pl.pallas_call(
        body,
        grid=(pl.cdiv(_V, _BLK),),
        in_specs=[
            pl.BlockSpec((_D, _BLK), lambda i: (0, i)),
            pl.BlockSpec((_BLK,), lambda i: (i,)),
            pl.BlockSpec((_BLK,), lambda i: (i,)),
            pl.BlockSpec((5, _D), lambda i: (0, 0)),
            pl.BlockSpec((5, 1), lambda i: (0, 0)),
        ],
        out_specs=pl.BlockSpec((5,), lambda i: (0,)),
        out_shape=jax.ShapeDtypeStruct((5,), jnp.float32),
        scratch_shapes=[pltpu.VMEM((_D, 1), jnp.float32)],
        compiler_params=pltpu.CompilerParams(
            vmem_limit_bytes=100 * 1024 * 1024),
    )(table_t, counts0, counts1, W, b_col)


@jax.jit
def kernel(tokens, emb_table, W, b):
    tokens_4d = tokens.astype(jnp.int32).reshape(_NC, _NS, 1, _BPW)
    counts0, counts1 = _sc_counts(tokens_4d, jnp.zeros((_V,), jnp.float32))
    return _tc_logits(emb_table.T, counts0, counts1, W, b.reshape(5, 1))

# --- scband reference (transcript-rebuilt; emitter-appended) ---
"""Pipeline reference for scband-model-25718264168642 (READ-ONLY COPY).

The authoritative reference and input builder live on the scoring server;
editing this copy changes nothing except your own understanding.
"""

import jax, jax.numpy as jnp
import numpy as np

VOCAB = 1000000
EMBED_DIM = 64
NUM_LABELS = 5
NUM_TOKENS = 16384


def setup_inputs(seed: int = 0) -> dict:
    key = jax.random.key(seed)
    k1, k2, k3, k4 = jax.random.split(key, 4)
    tokens = jax.random.randint(k1, (NUM_TOKENS,), 0, VOCAB, dtype=jnp.int64 if jax.config.jax_enable_x64 else jnp.int32)
    emb_table = jax.random.normal(k2, (VOCAB, EMBED_DIM), dtype=jnp.float32)
    W = jax.random.normal(k3, (NUM_LABELS, EMBED_DIM), dtype=jnp.float32) * (1.0 / np.sqrt(EMBED_DIM))
    b = jax.random.normal(k4, (NUM_LABELS,), dtype=jnp.float32) * 0.01
    return {"tokens": tokens, "emb_table": emb_table, "W": W, "b": b}


def reference(tokens, emb_table, W, b):
    # embedding lookup: torch.nn.Embedding -> gather rows
    embeddings = jnp.take(emb_table, tokens, axis=0)  # [L, D]
    # encoding = mean over tokens
    encoding = jnp.mean(embeddings, axis=0)  # [D]
    # linear layer: logits = encoding @ W.T + b
    logits = encoding @ W.T + b  # [num_labels]
    return logits

if __name__ == "__main__":
    import jax
    _d = setup_inputs()
    print(jax.jit(kernel)(*tuple(_d.values())))

</pallas_src>

<mosaic_0001>
#map = affine_map<(d0, d1) -> (0, 0, 0, 0)>
#map1 = affine_map<(d0, d1) -> (0)>
module attributes {stable_mosaic.version = 14 : i64} {
  func.func @sc_kernel(%arg0: i32, %arg1: i32, %arg2: memref<2x16x1x512xi32, #tpu.memory_space<hbm>>, %arg3: memref<1000000xf32, #tpu.memory_space<hbm>>, %arg4: memref<1000000xf32, #tpu.memory_space<hbm>>, %arg5: memref<1000000xf32, #tpu.memory_space<hbm>>, %arg6: memref<1x512xi32, #tpu.memory_space<vmem>>, %arg7: memref<1x512xf32, #tpu.memory_space<vmem>>, %arg8: memref<1000000xf32, #tpu.memory_space<vmem_shared>>) attributes {dimension_semantics = [#tpu.dimension_semantics<core_parallel>, #tpu.dimension_semantics<subcore_parallel>], iteration_bounds = array<i64: 2, 16>, scalar_prefetch = 0 : i64, scratch_operands = 3 : i64, tpu.core_type = #tpu.core_type<sc_vector_subcore>, window_params = [{transform_indices = #map}, {transform_indices = #map1}, {transform_indices = #map1}, {transform_indices = #map1}]} {
    %eq3A = arith.constant 0 : i32
    %eq3A_0 = arith.cmpi eq, %arg1, %eq3A : i32
    %convert_element_type3A = arith.extui %eq3A_0 : i1 to i32
    %cond3A = arith.constant 0 : i32
    %cond3A_1 = arith.cmpi ne, %convert_element_type3A, %cond3A : i32
    scf.if %cond3A_1 {
      "tpu.region"() ({
        %run_scoped3A_273 = tpu.sem_alloc : memref<!tpu.dma_semaphore, #tpu.memory_space<semaphore_mem>>
        tpu.enqueue_dma source(%arg3 : memref<1000000xf32, #tpu.memory_space<hbm>>) target(%arg8 : memref<1000000xf32, #tpu.memory_space<vmem_shared>>) target_semaphore(%run_scoped3A_273 : memref<!tpu.dma_semaphore, #tpu.memory_space<semaphore_mem>>)
        tpu.wait_dma2 semaphore(%run_scoped3A_273 : memref<!tpu.dma_semaphore, #tpu.memory_space<semaphore_mem>>) src(%arg3 : memref<1000000xf32, #tpu.memory_space<hbm>>) dst(%arg8 : memref<1000000xf32, #tpu.memory_space<vmem_shared>>)
        tpu.yield
      }) : () -> ()
    } else {
    }
    %broadcast_in_dim3A = arith.constant 1.000000e+00 : f32
    %broadcast_in_dim3A_2 = vector.broadcast %broadcast_in_dim3A : f32 to vector<16xf32>
    %swap3A = arith.constant 0 : i32
    %swap3A_3 = arith.index_cast %swap3A : i32 to index
    %swap3A_4 = arith.constant 0 : index
    %swap3A_5 = tpu.vector_load %arg7[%swap3A_3, %swap3A_4] {strides = array<i32>} : memref<1x512xf32, #tpu.memory_space<vmem>>, vector<1x16xf32>,
    %swap3A_6 = vector.shape_cast %swap3A_5 : vector<1x16xf32> to vector<16xf32>
    %swap3A_7 = vector.shape_cast %broadcast_in_dim3A_2 : vector<16xf32> to vector<1x16xf32>
    tpu.vector_store %arg7[%swap3A_3, %swap3A_4], %swap3A_7 {strides = array<i32>} : memref<1x512xf32, #tpu.memory_space<vmem>>, vector<1x16xf32>,
    %broadcast_in_dim3A_8 = arith.constant 1.000000e+00 : f32
    %broadcast_in_dim3A_9 = vector.broadcast %broadcast_in_dim3A_8 : f32 to vector<16xf32>
    %swap3A_10 = arith.constant 0 : i32
    %swap3A_11 = arith.index_cast %swap3A_10 : i32 to index
    %swap3A_12 = arith.constant 16 : index
    %swap3A_13 = tpu.vector_load %arg7[%swap3A_11, %swap3A_12] {strides = array<i32>} : memref<1x512xf32, #tpu.memory_space<vmem>>, vector<1x16xf32>,
    %swap3A_14 = vector.shape_cast %swap3A_13 : vector<1x16xf32> to vector<16xf32>
    %swap3A_15 = vector.shape_cast %broadcast_in_dim3A_9 : vector<16xf32> to vector<1x16xf32>
    tpu.vector_store %arg7[%swap3A_11, %swap3A_12], %swap3A_15 {strides = array<i32>} : memref<1x512xf32, #tpu.memory_space<vmem>>, vector<1x16xf32>,
    %broadcast_in_dim3A_16 = arith.constant 1.000000e+00 : f32
    %broadcast_in_dim3A_17 = vector.broadcast %broadcast_in_dim3A_16 : f32 to vector<16xf32>
    %swap3A_18 = arith.constant 0 : i32
    %swap3A_19 = arith.index_cast %swap3A_18 : i32 to index
    %swap3A_20 = arith.constant 32 : index
    %swap3A_21 = tpu.vector_load %arg7[%swap3A_19, %swap3A_20] {strides = array<i32>} : memref<1x512xf32, #tpu.memory_space<vmem>>, vector<1x16xf32>,
    %swap3A_22 = vector.shape_cast %swap3A_21 : vector<1x16xf32> to vector<16xf32>
    %swap3A_23 = vector.shape_cast %broadcast_in_dim3A_17 : vector<16xf32> to vector<1x16xf32>
    tpu.vector_store %arg7[%swap3A_19, %swap3A_20], %swap3A_23 {strides = array<i32>} : memref<1x512xf32, #tpu.memory_space<vmem>>, vector<1x16xf32>,
    %broadcast_in_dim3A_24 = arith.constant 1.000000e+00 : f32
    %broadcast_in_dim3A_25 = vector.broadcast %broadcast_in_dim3A_24 : f32 to vector<16xf32>
    %swap3A_26 = arith.constant 0 : i32
    %swap3A_27 = arith.index_cast %swap3A_26 : i32 to index
    %swap3A_28 = arith.constant 48 : index
    %swap3A_29 = tpu.vector_load %arg7[%swap3A_27, %swap3A_28] {strides = array<i32>} : memref<1x512xf32, #tpu.memory_space<vmem>>, vector<1x16xf32>,
    %swap3A_30 = vector.shape_cast %swap3A_29 : vector<1x16xf32> to vector<16xf32>
    %swap3A_31 = vector.shape_cast %broadcast_in_dim3A_25 : vector<16xf32> to vector<1x16xf32>
    tpu.vector_store %arg7[%swap3A_27, %swap3A_28], %swap3A_31 {strides = array<i32>} : memref<1x512xf32, #tpu.memory_space<vmem>>, vector<1x16xf32>,
    %broadcast_in_dim3A_32 = arith.constant 1.000000e+00 : f32
    %broadcast_in_dim3A_33 = vector.broadcast %broadcast_in_dim3A_32 : f32 to vector<16xf32>
    %swap3A_34 = arith.constant 0 : i32
    %swap3A_35 = arith.index_cast %swap3A_34 : i32 to index
    %swap3A_36 = arith.constant 64 : index
    %swap3A_37 = tpu.vector_load %arg7[%swap3A_35, %swap3A_36] {strides = array<i32>} : memref<1x512xf32, #tpu.memory_space<vmem>>, vector<1x16xf32>,
    %swap3A_38 = vector.shape_cast %swap3A_37 : vector<1x16xf32> to vector<16xf32>
    %swap3A_39 = vector.shape_cast %broadcast_in_dim3A_33 : vector<16xf32> to vector<1x16xf32>
    tpu.vector_store %arg7[%swap3A_35, %swap3A_36], %swap3A_39 {strides = array<i32>} : memref<1x512xf32, #tpu.memory_space<vmem>>, vector<1x16xf32>,
    %broadcast_in_dim3A_40 = arith.constant 1.000000e+00 : f32
    %broadcast_in_dim3A_41 = vector.broadcast %broadcast_in_dim3A_40 : f32 to vector<16xf32>
    %swap3A_42 = arith.constant 0 : i32
    %swap3A_43 = arith.index_cast %swap3A_42 : i32 to index
    %swap3A_44 = arith.constant 80 : index
    %swap3A_45 = tpu.vector_load %arg7[%swap3A_43, %swap3A_44] {strides = array<i32>} : memref<1x512xf32, #tpu.memory_space<vmem>>, vector<1x16xf32>,
    %swap3A_46 = vector.shape_cast %swap3A_45 : vector<1x16xf32> to vector<16xf32>
    %swap3A_47 = vector.shape_cast %broadcast_in_dim3A_41 : vector<16xf32> to vector<1x16xf32>
    tpu.vector_store %arg7[%swap3A_43, %swap3A_44], %swap3A_47 {strides = array<i32>} : memref<1x512xf32, #tpu.memory_space<vmem>>, vector<1x16xf32>,
    %broadcast_in_dim3A_48 = arith.constant 1.000000e+00 : f32
    %broadcast_in_dim3A_49 = vector.broadcast %broadcast_in_dim3A_48 : f32 to vector<16xf32>
    %swap3A_50 = arith.constant 0 : i32
    %swap3A_51 = arith.index_cast %swap3A_50 : i32 to index
    %swap3A_52 = arith.constant 96 : index
    %swap3A_53 = tpu.vector_load %arg7[%swap3A_51, %swap3A_52] {strides = array<i32>} : memref<1x512xf32, #tpu.memory_space<vmem>>, vector<1x16xf32>,
    %swap3A_54 = vector.shape_cast %swap3A_53 : vector<1x16xf32> to vector<16xf32>
    %swap3A_55 = vector.shape_cast %broadcast_in_dim3A_49 : vector<16xf32> to vector<1x16xf32>
    tpu.vector_store %arg7[%swap3A_51, %swap3A_52], %swap3A_55 {strides = array<i32>} : memref<1x512xf32, #tpu.memory_space<vmem>>, vector<1x16xf32>,
    %broadcast_in_dim3A_56 = arith.constant 1.000000e+00 : f32
    %broadcast_in_dim3A_57 = vector.broadcast %broadcast_in_dim3A_56 : f32 to vector<16xf32>
    %swap3A_58 = arith.constant 0 : i32
    %swap3A_59 = arith.index_cast %swap3A_58 : i32 to index
    %swap3A_60 = arith.constant 112 : index
    %swap3A_61 = tpu.vector_load %arg7[%swap3A_59, %swap3A_60] {strides = array<i32>} : memref<1x512xf32, #tpu.memory_space<vmem>>, vector<1x16xf32>,
    %swap3A_62 = vector.shape_cast %swap3A_61 : vector<1x16xf32> to vector<16xf32>
    %swap3A_63 = vector.shape_cast %broadcast_in_dim3A_57 : vector<16xf32> to vector<1x16xf32>
    tpu.vector_store %arg7[%swap3A_59, %swap3A_60], %swap3A_63 {strides = array<i32>} : memref<1x512xf32, #tpu.memory_space<vmem>>, vector<1x16xf32>,
    %broadcast_in_dim3A_64 = arith.constant 1.000000e+00 : f32
    %broadcast_in_dim3A_65 = vector.broadcast %broadcast_in_dim3A_64 : f32 to vector<16xf32>
    %swap3A_66 = arith.constant 0 : i32
    %swap3A_67 = arith.index_cast %swap3A_66 : i32 to index
    %swap3A_68 = arith.constant 128 : index
    %swap3A_69 = tpu.vector_load %arg7[%swap3A_67, %swap3A_68] {strides = array<i32>} : memref<1x512xf32, #tpu.memory_space<vmem>>, vector<1x16xf32>,
    %swap3A_70 = vector.shape_cast %swap3A_69 : vector<1x16xf32> to vector<16xf32>
    %swap3A_71 = vector.shape_cast %broadcast_in_dim3A_65 : vector<16xf32> to vector<1x16xf32>
    tpu.vector_store %arg7[%swap3A_67, %swap3A_68], %swap3A_71 {strides = array<i32>} : memref<1x512xf32, #tpu.memory_space<vmem>>, vector<1x16xf32>,
    %broadcast_in_dim3A_72 = arith.constant 1.000000e+00 : f32
    %broadcast_in_dim3A_73 = vector.broadcast %broadcast_in_dim3A_72 : f32 to vector<16xf32>
    %swap3A_74 = arith.constant 0 : i32
    %swap3A_75 = arith.index_cast %swap3A_74 : i32 to index
    %swap3A_76 = arith.constant 144 : index
    %swap3A_77 = tpu.vector_load %arg7[%swap3A_75, %swap3A_76] {strides = array<i32>} : memref<1x512xf32, #tpu.memory_space<vmem>>, vector<1x16xf32>,
    %swap3A_78 = vector.shape_cast %swap3A_77 : vector<1x16xf32> to vector<16xf32>
    %swap3A_79 = vector.shape_cast %broadcast_in_dim3A_73 : vector<16xf32> to vector<1x16xf32>
    tpu.vector_store %arg7[%swap3A_75, %swap3A_76], %swap3A_79 {strides = array<i32>} : memref<1x512xf32, #tpu.memory_space<vmem>>, vector<1x16xf32>,
    %broadcast_in_dim3A_80 = arith.constant 1.000000e+00 : f32
    %broadcast_in_dim3A_81 = vector.broadcast %broadcast_in_dim3A_80 : f32 to vector<16xf32>
    %swap3A_82 = arith.constant 0 : i32
    %swap3A_83 = arith.index_cast %swap3A_82 : i32 to index
    %swap3A_84 = arith.constant 160 : index
    %swap3A_85 = tpu.vector_load %arg7[%swap3A_83, %swap3A_84] {strides = array<i32>} : memref<1x512xf32, #tpu.memory_space<vmem>>, vector<1x16xf32>,
    %swap3A_86 = vector.shape_cast %swap3A_85 : vector<1x16xf32> to vector<16xf32>
    %swap3A_87 = vector.shape_cast %broadcast_in_dim3A_81 : vector<16xf32> to vector<1x16xf32>
    tpu.vector_store %arg7[%swap3A_83, %swap3A_84], %swap3A_87 {strides = array<i32>} : memref<1x512xf32, #tpu.memory_space<vmem>>, vector<1x16xf32>,
    %broadcast_in_dim3A_88 = arith.constant 1.000000e+00 : f32
    %broadcast_in_dim3A_89 = vector.broadcast %broadcast_in_dim3A_88 : f32 to vector<16xf32>
    %swap3A_90 = arith.constant 0 : i32
    %swap3A_91 = arith.index_cast %swap3A_90 : i32 to index
    %swap3A_92 = arith.constant 176 : index
    %swap3A_93 = tpu.vector_load %arg7[%swap3A_91, %swap3A_92] {strides = array<i32>} : memref<1x512xf32, #tpu.memory_space<vmem>>, vector<1x16xf32>,
    %swap3A_94 = vector.shape_cast %swap3A_93 : vector<1x16xf32> to vector<16xf32>
    %swap3A_95 = vector.shape_cast %broadcast_in_dim3A_89 : vector<16xf32> to vector<1x16xf32>
    tpu.vector_store %arg7[%swap3A_91, %swap3A_92], %swap3A_95 {strides = array<i32>} : memref<1x512xf32, #tpu.memory_space<vmem>>, vector<1x16xf32>,
    %broadcast_in_dim3A_96 = arith.constant 1.000000e+00 : f32
    %broadcast_in_dim3A_97 = vector.broadcast %broadcast_in_dim3A_96 : f32 to vector<16xf32>
    %swap3A_98 = arith.constant 0 : i32
    %swap3A_99 = arith.index_cast %swap3A_98 : i32 to index
    %swap3A_100 = arith.constant 192 : index
    %swap3A_101 = tpu.vector_load %arg7[%swap3A_99, %swap3A_100] {strides = array<i32>} : memref<1x512xf32, #tpu.memory_space<vmem>>, vector<1x16xf32>,
    %swap3A_102 = vector.shape_cast %swap3A_101 : vector<1x16xf32> to vector<16xf32>
    %swap3A_103 = vector.shape_cast %broadcast_in_dim3A_97 : vector<16xf32> to vector<1x16xf32>
    tpu.vector_store %arg7[%swap3A_99, %swap3A_100], %swap3A_103 {strides = array<i32>} : memref<1x512xf32, #tpu.memory_space<vmem>>, vector<1x16xf32>,
    %broadcast_in_dim3A_104 = arith.constant 1.000000e+00 : f32
    %broadcast_in_dim3A_105 = vector.broadcast %broadcast_in_dim3A_104 : f32 to vector<16xf32>
    %swap3A_106 = arith.constant 0 : i32
    %swap3A_107 = arith.index_cast %swap3A_106 : i32 to index
    %swap3A_108 = arith.constant 208 : index
    %swap3A_109 = tpu.vector_load %arg7[%swap3A_107, %swap3A_108] {strides = array<i32>} : memref<1x512xf32, #tpu.memory_space<vmem>>, vector<1x16xf32>,
    %swap3A_110 = vector.shape_cast %swap3A_109 : vector<1x16xf32> to vector<16xf32>
    %swap3A_111 = vector.shape_cast %broadcast_in_dim3A_105 : vector<16xf32> to vector<1x16xf32>
    tpu.vector_store %arg7[%swap3A_107, %swap3A_108], %swap3A_111 {strides = array<i32>} : memref<1x512xf32, #tpu.memory_space<vmem>>, vector<1x16xf32>,
    %broadcast_in_dim3A_112 = arith.constant 1.000000e+00 : f32
    %broadcast_in_dim3A_113 = vector.broadcast %broadcast_in_dim3A_112 : f32 to vector<16xf32>
    %swap3A_114 = arith.constant 0 : i32
    %swap3A_115 = arith.index_cast %swap3A_114 : i32 to index
    %swap3A_116 = arith.constant 224 : index
    %swap3A_117 = tpu.vector_load %arg7[%swap3A_115, %swap3A_116] {strides = array<i32>} : memref<1x512xf32, #tpu.memory_space<vmem>>, vector<1x16xf32>,
    %swap3A_118 = vector.shape_cast %swap3A_117 : vector<1x16xf32> to vector<16xf32>
    %swap3A_119 = vector.shape_cast %broadcast_in_dim3A_113 : vector<16xf32> to vector<1x16xf32>
    tpu.vector_store %arg7[%swap3A_115, %swap3A_116], %swap3A_119 {strides = array<i32>} : memref<1x512xf32, #tpu.memory_space<vmem>>, vector<1x16xf32>,
    %broadcast_in_dim3A_120 = arith.constant 1.000000e+00 : f32
    %broadcast_in_dim3A_121 = vector.broadcast %broadcast_in_dim3A_120 : f32 to vector<16xf32>
    %swap3A_122 = arith.constant 0 : i32
    %swap3A_123 = arith.index_cast %swap3A_122 : i32 to index
    %swap3A_124 = arith.constant 240 : index
    %swap3A_125 = tpu.vector_load %arg7[%swap3A_123, %swap3A_124] {strides = array<i32>} : memref<1x512xf32, #tpu.memory_space<vmem>>, vector<1x16xf32>,
    %swap3A_126 = vector.shape_cast %swap3A_125 : vector<1x16xf32> to vector<16xf32>
    %swap3A_127 = vector.shape_cast %broadcast_in_dim3A_121 : vector<16xf32> to vector<1x16xf32>
    tpu.vector_store %arg7[%swap3A_123, %swap3A_124], %swap3A_127 {strides = array<i32>} : memref<1x512xf32, #tpu.memory_space<vmem>>, vector<1x16xf32>,
    %broadcast_in_dim3A_128 = arith.constant 1.000000e+00 : f32
    %broadcast_in_dim3A_129 = vector.broadcast %broadcast_in_dim3A_128 : f32 to vector<16xf32>
    %swap3A_130 = arith.constant 0 : i32
    %swap3A_131 = arith.index_cast %swap3A_130 : i32 to index
    %swap3A_132 = arith.constant 256 : index
    %swap3A_133 = tpu.vector_load %arg7[%swap3A_131, %swap3A_132] {strides = array<i32>} : memref<1x512xf32, #tpu.memory_space<vmem>>, vector<1x16xf32>,
    %swap3A_134 = vector.shape_cast %swap3A_133 : vector<1x16xf32> to vector<16xf32>
    %swap3A_135 = vector.shape_cast %broadcast_in_dim3A_129 : vector<16xf32> to vector<1x16xf32>
    tpu.vector_store %arg7[%swap3A_131, %swap3A_132], %swap3A_135 {strides = array<i32>} : memref<1x512xf32, #tpu.memory_space<vmem>>, vector<1x16xf32>,
    %broadcast_in_dim3A_136 = arith.constant 1.000000e+00 : f32
    %broadcast_in_dim3A_137 = vector.broadcast %broadcast_in_dim3A_136 : f32 to vector<16xf32>
    %swap3A_138 = arith.constant 0 : i32
    %swap3A_139 = arith.index_cast %swap3A_138 : i32 to index
    %swap3A_140 = arith.constant 272 : index
    %swap3A_141 = tpu.vector_load %arg7[%swap3A_139, %swap3A_140] {strides = array<i32>} : memref<1x512xf32, #tpu.memory_space<vmem>>, vector<1x16xf32>,
    %swap3A_142 = vector.shape_cast %swap3A_141 : vector<1x16xf32> to vector<16xf32>
    %swap3A_143 = vector.shape_cast %broadcast_in_dim3A_137 : vector<16xf32> to vector<1x16xf32>
    tpu.vector_store %arg7[%swap3A_139, %swap3A_140], %swap3A_143 {strides = array<i32>} : memref<1x512xf32, #tpu.memory_space<vmem>>, vector<1x16xf32>,
    %broadcast_in_dim3A_144 = arith.constant 1.000000e+00 : f32
    %broadcast_in_dim3A_145 = vector.broadcast %broadcast_in_dim3A_144 : f32 to vector<16xf32>
    %swap3A_146 = arith.constant 0 : i32
    %swap3A_147 = arith.index_cast %swap3A_146 : i32 to index
    %swap3A_148 = arith.constant 288 : index
    %swap3A_149 = tpu.vector_load %arg7[%swap3A_147, %swap3A_148] {strides = array<i32>} : memref<1x512xf32, #tpu.memory_space<vmem>>, vector<1x16xf32>,
    %swap3A_150 = vector.shape_cast %swap3A_149 : vector<1x16xf32> to vector<16xf32>
    %swap3A_151 = vector.shape_cast %broadcast_in_dim3A_145 : vector<16xf32> to vector<1x16xf32>
    tpu.vector_store %arg7[%swap3A_147, %swap3A_148], %swap3A_151 {strides = array<i32>} : memref<1x512xf32, #tpu.memory_space<vmem>>, vector<1x16xf32>,
    %broadcast_in_dim3A_152 = arith.constant 1.000000e+00 : f32
    %broadcast_in_dim3A_153 = vector.broadcast %broadcast_in_dim3A_152 : f32 to vector<16xf32>
    %swap3A_154 = arith.constant 0 : i32
    %swap3A_155 = arith.index_cast %swap3A_154 : i32 to index
    %swap3A_156 = arith.constant 304 : index
    %swap3A_157 = tpu.vector_load %arg7[%swap3A_155, %swap3A_156] {strides = array<i32>} : memref<1x512xf32, #tpu.memory_space<vmem>>, vector<1x16xf32>,
    %swap3A_158 = vector.shape_cast %swap3A_157 : vector<1x16xf32> to vector<16xf32>
    %swap3A_159 = vector.shape_cast %broadcast_in_dim3A_153 : vector<16xf32> to vector<1x16xf32>
    tpu.vector_store %arg7[%swap3A_155, %swap3A_156], %swap3A_159 {strides = array<i32>} : memref<1x512xf32, #tpu.memory_space<vmem>>, vector<1x16xf32>,
    %broadcast_in_dim3A_160 = arith.constant 1.000000e+00 : f32
    %broadcast_in_dim3A_161 = vector.broadcast %broadcast_in_dim3A_160 : f32 to vector<16xf32>
    %swap3A_162 = arith.constant 0 : i32
    %swap3A_163 = arith.index_cast %swap3A_162 : i32 to index
    %swap3A_164 = arith.constant 320 : index
    %swap3A_165 = tpu.vector_load %arg7[%swap3A_163, %swap3A_164] {strides = array<i32>} : memref<1x512xf32, #tpu.memory_space<vmem>>, vector<1x16xf32>,
    %swap3A_166 = vector.shape_cast %swap3A_165 : vector<1x16xf32> to vector<16xf32>
    %swap3A_167 = vector.shape_cast %broadcast_in_dim3A_161 : vector<16xf32> to vector<1x16xf32>
    tpu.vector_store %arg7[%swap3A_163, %swap3A_164], %swap3A_167 {strides = array<i32>} : memref<1x512xf32, #tpu.memory_space<vmem>>, vector<1x16xf32>,
    %broadcast_in_dim3A_168 = arith.constant 1.000000e+00 : f32
    %broadcast_in_dim3A_169 = vector.broadcast %broadcast_in_dim3A_168 : f32 to vector<16xf32>
    %swap3A_170 = arith.constant 0 : i32
    %swap3A_171 = arith.index_cast %swap3A_170 : i32 to index
    %swap3A_172 = arith.constant 336 : index
    %swap3A_173 = tpu.vector_load %arg7[%swap3A_171, %swap3A_172] {strides = array<i32>} : memref<1x512xf32, #tpu.memory_space<vmem>>, vector<1x16xf32>,
    %swap3A_174 = vector.shape_cast %swap3A_173 : vector<1x16xf32> to vector<16xf32>
    %swap3A_175 = vector.shape_cast %broadcast_in_dim3A_169 : vector<16xf32> to vector<1x16xf32>
    tpu.vector_store %arg7[%swap3A_171, %swap3A_172], %swap3A_175 {strides = array<i32>} : memref<1x512xf32, #tpu.memory_space<vmem>>, vector<1x16xf32>,
    %broadcast_in_dim3A_176 = arith.constant 1.000000e+00 : f32
    %broadcast_in_dim3A_177 = vector.broadcast %broadcast_in_dim3A_176 : f32 to vector<16xf32>
    %swap3A_178 = arith.constant 0 : i32
    %swap3A_179 = arith.index_cast %swap3A_178 : i32 to index
    %swap3A_180 = arith.constant 352 : index
    %swap3A_181 = tpu.vector_load %arg7[%swap3A_179, %swap3A_180] {strides = array<i32>} : memref<1x512xf32, #tpu.memory_space<vmem>>, vector<1x16xf32>,
    %swap3A_182 = vector.shape_cast %swap3A_181 : vector<1x16xf32> to vector<16xf32>
    %swap3A_183 = vector.shape_cast %broadcast_in_dim3A_177 : vector<16xf32> to vector<1x16xf32>
    tpu.vector_store %arg7[%swap3A_179, %swap3A_180], %swap3A_183 {strides = array<i32>} : memref<1x512xf32, #tpu.memory_space<vmem>>, vector<1x16xf32>,
    %broadcast_in_dim3A_184 = arith.constant 1.000000e+00 : f32
    %broadcast_in_dim3A_185 = vector.broadcast %broadcast_in_dim3A_184 : f32 to vector<16xf32>
    %swap3A_186 = arith.constant 0 : i32
    %swap3A_187 = arith.index_cast %swap3A_186 : i32 to index
    %swap3A_188 = arith.constant 368 : index
    %swap3A_189 = tpu.vector_load %arg7[%swap3A_187, %swap3A_188] {strides = array<i32>} : memref<1x512xf32, #tpu.memory_space<vmem>>, vector<1x16xf32>,
    %swap3A_190 = vector.shape_cast %swap3A_189 : vector<1x16xf32> to vector<16xf32>
    %swap3A_191 = vector.shape_cast %broadcast_in_dim3A_185 : vector<16xf32> to vector<1x16xf32>
    tpu.vector_store %arg7[%swap3A_187, %swap3A_188], %swap3A_191 {strides = array<i32>} : memref<1x512xf32, #tpu.memory_space<vmem>>, vector<1x16xf32>,
    %broadcast_in_dim3A_192 = arith.constant 1.000000e+00 : f32
    %broadcast_in_dim3A_193 = vector.broadcast %broadcast_in_dim3A_192 : f32 to vector<16xf32>
    %swap3A_194 = arith.constant 0 : i32
    %swap3A_195 = arith.index_cast %swap3A_194 : i32 to index
    %swap3A_196 = arith.constant 384 : index
    %swap3A_197 = tpu.vector_load %arg7[%swap3A_195, %swap3A_196] {strides = array<i32>} : memref<1x512xf32, #tpu.memory_space<vmem>>, vector<1x16xf32>,
    %swap3A_198 = vector.shape_cast %swap3A_197 : vector<1x16xf32> to vector<16xf32>
    %swap3A_199 = vector.shape_cast %broadcast_in_dim3A_193 : vector<16xf32> to vector<1x16xf32>
    tpu.vector_store %arg7[%swap3A_195, %swap3A_196], %swap3A_199 {strides = array<i32>} : memref<1x512xf32, #tpu.memory_space<vmem>>, vector<1x16xf32>,
    %broadcast_in_dim3A_200 = arith.constant 1.000000e+00 : f32
    %broadcast_in_dim3A_201 = vector.broadcast %broadcast_in_dim3A_200 : f32 to vector<16xf32>
    %swap3A_202 = arith.constant 0 : i32
    %swap3A_203 = arith.index_cast %swap3A_202 : i32 to index
    %swap3A_204 = arith.constant 400 : index
    %swap3A_205 = tpu.vector_load %arg7[%swap3A_203, %swap3A_204] {strides = array<i32>} : memref<1x512xf32, #tpu.memory_space<vmem>>, vector<1x16xf32>,
    %swap3A_206 = vector.shape_cast %swap3A_205 : vector<1x16xf32> to vector<16xf32>
    %swap3A_207 = vector.shape_cast %broadcast_in_dim3A_201 : vector<16xf32> to vector<1x16xf32>
    tpu.vector_store %arg7[%swap3A_203, %swap3A_204], %swap3A_207 {strides = array<i32>} : memref<1x512xf32, #tpu.memory_space<vmem>>, vector<1x16xf32>,
    %broadcast_in_dim3A_208 = arith.constant 1.000000e+00 : f32
    %broadcast_in_dim3A_209 = vector.broadcast %broadcast_in_dim3A_208 : f32 to vector<16xf32>
    %swap3A_210 = arith.constant 0 : i32
    %swap3A_211 = arith.index_cast %swap3A_210 : i32 to index
    %swap3A_212 = arith.constant 416 : index
    %swap3A_213 = tpu.vector_load %arg7[%swap3A_211, %swap3A_212] {strides = array<i32>} : memref<1x512xf32, #tpu.memory_space<vmem>>, vector<1x16xf32>,
    %swap3A_214 = vector.shape_cast %swap3A_213 : vector<1x16xf32> to vector<16xf32>
    %swap3A_215 = vector.shape_cast %broadcast_in_dim3A_209 : vector<16xf32> to vector<1x16xf32>
    tpu.vector_store %arg7[%swap3A_211, %swap3A_212], %swap3A_215 {strides = array<i32>} : memref<1x512xf32, #tpu.memory_space<vmem>>, vector<1x16xf32>,
    %broadcast_in_dim3A_216 = arith.constant 1.000000e+00 : f32
    %broadcast_in_dim3A_217 = vector.broadcast %broadcast_in_dim3A_216 : f32 to vector<16xf32>
    %swap3A_218 = arith.constant 0 : i32
    %swap3A_219 = arith.index_cast %swap3A_218 : i32 to index
    %swap3A_220 = arith.constant 432 : index
    %swap3A_221 = tpu.vector_load %arg7[%swap3A_219, %swap3A_220] {strides = array<i32>} : memref<1x512xf32, #tpu.memory_space<vmem>>, vector<1x16xf32>,
    %swap3A_222 = vector.shape_cast %swap3A_221 : vector<1x16xf32> to vector<16xf32>
    %swap3A_223 = vector.shape_cast %broadcast_in_dim3A_217 : vector<16xf32> to vector<1x16xf32>
    tpu.vector_store %arg7[%swap3A_219, %swap3A_220], %swap3A_223 {strides = array<i32>} : memref<1x512xf32, #tpu.memory_space<vmem>>, vector<1x16xf32>,
    %broadcast_in_dim3A_224 = arith.constant 1.000000e+00 : f32
    %broadcast_in_dim3A_225 = vector.broadcast %broadcast_in_dim3A_224 : f32 to vector<16xf32>
    %swap3A_226 = arith.constant 0 : i32
    %swap3A_227 = arith.index_cast %swap3A_226 : i32 to index
    %swap3A_228 = arith.constant 448 : index
    %swap3A_229 = tpu.vector_load %arg7[%swap3A_227, %swap3A_228] {strides = array<i32>} : memref<1x512xf32, #tpu.memory_space<vmem>>, vector<1x16xf32>,
    %swap3A_230 = vector.shape_cast %swap3A_229 : vector<1x16xf32> to vector<16xf32>
    %swap3A_231 = vector.shape_cast %broadcast_in_dim3A_225 : vector<16xf32> to vector<1x16xf32>
    tpu.vector_store %arg7[%swap3A_227, %swap3A_228], %swap3A_231 {strides = array<i32>} : memref<1x512xf32, #tpu.memory_space<vmem>>, vector<1x16xf32>,
    %broadcast_in_dim3A_232 = arith.constant 1.000000e+00 : f32
    %broadcast_in_dim3A_233 = vector.broadcast %broadcast_in_dim3A_232 : f32 to vector<16xf32>
    %swap3A_234 = arith.constant 0 : i32
    %swap3A_235 = arith.index_cast %swap3A_234 : i32 to index
    %swap3A_236 = arith.constant 464 : index
    %swap3A_237 = tpu.vector_load %arg7[%swap3A_235, %swap3A_236] {strides = array<i32>} : memref<1x512xf32, #tpu.memory_space<vmem>>, vector<1x16xf32>,
    %swap3A_238 = vector.shape_cast %swap3A_237 : vector<1x16xf32> to vector<16xf32>
    %swap3A_239 = vector.shape_cast %broadcast_in_dim3A_233 : vector<16xf32> to vector<1x16xf32>
    tpu.vector_store %arg7[%swap3A_235, %swap3A_236], %swap3A_239 {strides = array<i32>} : memref<1x512xf32, #tpu.memory_space<vmem>>, vector<1x16xf32>,
    %broadcast_in_dim3A_240 = arith.constant 1.000000e+00 : f32
    %broadcast_in_dim3A_241 = vector.broadcast %broadcast_in_dim3A_240 : f32 to vector<16xf32>
    %swap3A_242 = arith.constant 0 : i32
    %swap3A_243 = arith.index_cast %swap3A_242 : i32 to index
    %swap3A_244 = arith.constant 480 : index
    %swap3A_245 = tpu.vector_load %arg7[%swap3A_243, %swap3A_244] {strides = array<i32>} : memref<1x512xf32, #tpu.memory_space<vmem>>, vector<1x16xf32>,
    %swap3A_246 = vector.shape_cast %swap3A_245 : vector<1x16xf32> to vector<16xf32>
    %swap3A_247 = vector.shape_cast %broadcast_in_dim3A_241 : vector<16xf32> to vector<1x16xf32>
    tpu.vector_store %arg7[%swap3A_243, %swap3A_244], %swap3A_247 {strides = array<i32>} : memref<1x512xf32, #tpu.memory_space<vmem>>, vector<1x16xf32>,
    %broadcast_in_dim3A_248 = arith.constant 1.000000e+00 : f32
    %broadcast_in_dim3A_249 = vector.broadcast %broadcast_in_dim3A_248 : f32 to vector<16xf32>
    %swap3A_250 = arith.constant 0 : i32
    %swap3A_251 = arith.index_cast %swap3A_250 : i32 to index
    %swap3A_252 = arith.constant 496 : index
    %swap3A_253 = tpu.vector_load %arg7[%swap3A_251, %swap3A_252] {strides = array<i32>} : memref<1x512xf32, #tpu.memory_space<vmem>>, vector<1x16xf32>,
    %swap3A_254 = vector.shape_cast %swap3A_253 : vector<1x16xf32> to vector<16xf32>
    %swap3A_255 = vector.shape_cast %broadcast_in_dim3A_249 : vector<16xf32> to vector<1x16xf32>
    tpu.vector_store %arg7[%swap3A_251, %swap3A_252], %swap3A_255 {strides = array<i32>} : memref<1x512xf32, #tpu.memory_space<vmem>>, vector<1x16xf32>,
    "tpu.region"() ({
      %run_scoped3A_273 = tpu.sem_alloc : memref<!tpu.dma_semaphore, #tpu.memory_space<semaphore_mem>>
      %dma_start3A = arith.constant 0 : i32
      %dma_start3A_274 = arith.constant 0 : i32
      %dma_start3A_275 = tpu.memref_slice %arg2[%arg0, %arg1, %dma_start3A, %dma_start3A_274] : memref<2x16x1x512xi32, #tpu.memory_space<hbm>> -> memref<1x1x1x512xi32, #tpu.memory_space<hbm>>
      %dma_start3A_276 = tpu.memref_squeeze %dma_start3A_275 : memref<1x1x1x512xi32, #tpu.memory_space<hbm>> -> memref<1x512xi32, #tpu.memory_space<hbm>>
      %dma_start3A_277 = arith.constant 0 : i32
      %dma_start3A_278 = arith.constant 0 : i32
      %dma_start3A_279 = tpu.memref_slice %arg2[%arg0, %arg1, %dma_start3A_277, %dma_start3A_278] : memref<2x16x1x512xi32, #tpu.memory_space<hbm>> -> memref<1x1x1x512xi32, #tpu.memory_space<hbm>>
      %dma_start3A_280 = tpu.memref_squeeze %dma_start3A_279 : memref<1x1x1x512xi32, #tpu.memory_space<hbm>> -> memref<1x512xi32, #tpu.memory_space<hbm>>
      tpu.enqueue_dma source(%dma_start3A_280 : memref<1x512xi32, #tpu.memory_space<hbm>>) target(%arg6 : memref<1x512xi32, #tpu.memory_space<vmem>>) target_semaphore(%run_scoped3A_273 : memref<!tpu.dma_semaphore, #tpu.memory_space<semaphore_mem>>)
      %dma_wait3A = arith.constant 0 : i32
      %dma_wait3A_281 = arith.constant 0 : i32
      %dma_wait3A_282 = tpu.memref_slice %arg2[%arg0, %arg1, %dma_wait3A, %dma_wait3A_281] : memref<2x16x1x512xi32, #tpu.memory_space<hbm>> -> memref<1x1x1x512xi32, #tpu.memory_space<hbm>>
      %dma_wait3A_283 = tpu.memref_squeeze %dma_wait3A_282 : memref<1x1x1x512xi32, #tpu.memory_space<hbm>> -> memref<1x512xi32, #tpu.memory_space<hbm>>
      %dma_wait3A_284 = arith.constant 0 : i32
      %dma_wait3A_285 = arith.constant 0 : i32
      %dma_wait3A_286 = tpu.memref_slice %arg2[%arg0, %arg1, %dma_wait3A_284, %dma_wait3A_285] : memref<2x16x1x512xi32, #tpu.memory_space<hbm>> -> memref<1x1x1x512xi32, #tpu.memory_space<hbm>>
      %dma_wait3A_287 = tpu.memref_squeeze %dma_wait3A_286 : memref<1x1x1x512xi32, #tpu.memory_space<hbm>> -> memref<1x512xi32, #tpu.memory_space<hbm>>
      tpu.wait_dma2 semaphore(%run_scoped3A_273 : memref<!tpu.dma_semaphore, #tpu.memory_space<semaphore_mem>>) src(%dma_wait3A_287 : memref<1x512xi32, #tpu.memory_space<hbm>>) dst(%arg6 : memref<1x512xi32, #tpu.memory_space<vmem>>)
      tpu.yield
    }) : () -> ()
    %barrier3A = arith.constant 0 : index
    tpu.barrier barrier_id(%barrier3A)
    %run_scoped3A = arith.constant 0 : i32
    %run_scoped3A_256 = arith.constant 0 : i32
    "tpu.region"() ({
      %run_scoped3A_273 = tpu.sem_alloc : memref<!tpu.dma_semaphore, #tpu.memory_space<semaphore_mem>>
      %dma_start3A = arith.constant 0 : i32
      %dma_start3A_274 = tpu.memref_slice %arg7[%run_scoped3A, %dma_start3A] : memref<1x512xf32, #tpu.memory_space<vmem>> -> memref<1x512xf32, #tpu.memory_space<vmem>>
      %dma_start3A_275 = tpu.memref_squeeze %dma_start3A_274 : memref<1x512xf32, #tpu.memory_space<vmem>> -> memref<512xf32, #tpu.memory_space<vmem>>
      %dma_start3A_276 = arith.constant 0 : i32
      %dma_start3A_277 = tpu.memref_slice %arg6[%run_scoped3A_256, %dma_start3A_276] : memref<1x512xi32, #tpu.memory_space<vmem>> -> memref<1x512xi32, #tpu.memory_space<vmem>>
      %dma_start3A_278 = tpu.memref_squeeze %dma_start3A_277 : memref<1x512xi32, #tpu.memory_space<vmem>> -> memref<512xi32, #tpu.memory_space<vmem>>
      %dma_start3A_279 = arith.constant 0 : i32
      %dma_start3A_280 = tpu.memref_slice %arg8[%dma_start3A_279] : memref<1000000xf32, #tpu.memory_space<vmem_shared>> -> memref<1000000xf32, #tpu.memory_space<vmem_shared>>
      tpu.enqueue_indirect_dma source(%dma_start3A_275 : memref<512xf32, #tpu.memory_space<vmem>>) target(%dma_start3A_280 : memref<1000000xf32, #tpu.memory_space<vmem_shared>>) offsets(%dma_start3A_278 : memref<512xi32, #tpu.memory_space<vmem>>) semaphore(%run_scoped3A_273 : memref<!tpu.dma_semaphore, #tpu.memory_space<semaphore_mem>>) {add = true}
      %dma_wait3A = arith.constant 0 : i32
      %dma_wait3A_281 = tpu.memref_slice %arg7[%run_scoped3A, %dma_wait3A] : memref<1x512xf32, #tpu.memory_space<vmem>> -> memref<1x512xf32, #tpu.memory_space<vmem>>
      %dma_wait3A_282 = tpu.memref_squeeze %dma_wait3A_281 : memref<1x512xf32, #tpu.memory_space<vmem>> -> memref<512xf32, #tpu.memory_space<vmem>>
      %dma_wait3A_283 = arith.constant 0 : i32
      %dma_wait3A_284 = tpu.memref_slice %arg6[%run_scoped3A_256, %dma_wait3A_283] : memref<1x512xi32, #tpu.memory_space<vmem>> -> memref<1x512xi32, #tpu.memory_space<vmem>>
      %dma_wait3A_285 = tpu.memref_squeeze %dma_wait3A_284 : memref<1x512xi32, #tpu.memory_space<vmem>> -> memref<512xi32, #tpu.memory_space<vmem>>
      %dma_wait3A_286 = arith.constant 0 : i32
      %dma_wait3A_287 = tpu.memref_slice %arg8[%dma_wait3A_286] : memref<1000000xf32, #tpu.memory_space<vmem_shared>> -> memref<1000000xf32, #tpu.memory_space<vmem_shared>>
      tpu.wait_indirect_dma semaphore(%run_scoped3A_273 : memref<!tpu.dma_semaphore, #tpu.memory_space<semaphore_mem>>) src(%dma_wait3A_282 : memref<512xf32, #tpu.memory_space<vmem>>) dst(%dma_wait3A_287 : memref<1000000xf32, #tpu.memory_space<vmem_shared>>)
      tpu.yield
    }) : () -> ()
    %barrier3A_257 = arith.constant 0 : index
    tpu.barrier barrier_id(%barrier3A_257)
    %eq3A_258 = arith.constant 0 : i32
    %eq3A_259 = arith.cmpi eq, %arg1, %eq3A_258 : i32
    %eq3A_260 = arith.constant 0 : i32
    %eq3A_261 = arith.cmpi eq, %arg0, %eq3A_260 : i32
    %and3A = arith.andi %eq3A_259, %eq3A_261 : i1
    %convert_element_type3A_262 = arith.extui %and3A : i1 to i32
    %cond3A_263 = arith.constant 0 : i32
    %cond3A_264 = arith.cmpi ne, %convert_element_type3A_262, %cond3A_263 : i32
    scf.if %cond3A_264 {
      "tpu.region"() ({
        %run_scoped3A_273 = tpu.sem_alloc : memref<!tpu.dma_semaphore, #tpu.memory_space<semaphore_mem>>
        tpu.enqueue_dma source(%arg8 : memref<1000000xf32, #tpu.memory_space<vmem_shared>>) target(%arg4 : memref<1000000xf32, #tpu.memory_space<hbm>>) target_semaphore(%run_scoped3A_273 : memref<!tpu.dma_semaphore, #tpu.memory_space<semaphore_mem>>)
        tpu.wait_dma2 semaphore(%run_scoped3A_273 : memref<!tpu.dma_semaphore, #tpu.memory_space<semaphore_mem>>) src(%arg8 : memref<1000000xf32, #tpu.memory_space<vmem_shared>>) dst(%arg4 : memref<1000000xf32, #tpu.memory_space<hbm>>)
        tpu.yield
      }) : () -> ()
    } else {
    }
    %eq3A_265 = arith.constant 0 : i32
    %eq3A_266 = arith.cmpi eq, %arg1, %eq3A_265 : i32
    %eq3A_267 = arith.constant 1 : i32
    %eq3A_268 = arith.cmpi eq, %arg0, %eq3A_267 : i32
    %and3A_269 = arith.andi %eq3A_266, %eq3A_268 : i1
    %convert_element_type3A_270 = arith.extui %and3A_269 : i1 to i32
    %cond3A_271 = arith.constant 0 : i32
    %cond3A_272 = arith.cmpi ne, %convert_element_type3A_270, %cond3A_271 : i32
    scf.if %cond3A_272 {
      "tpu.region"() ({
        %run_scoped3A_273 = tpu.sem_alloc : memref<!tpu.dma_semaphore, #tpu.memory_space<semaphore_mem>>
        tpu.enqueue_dma source(%arg8 : memref<1000000xf32, #tpu.memory_space<vmem_shared>>) target(%arg5 : memref<1000000xf32, #tpu.memory_space<hbm>>) target_semaphore(%run_scoped3A_273 : memref<!tpu.dma_semaphore, #tpu.memory_space<semaphore_mem>>)
        tpu.wait_dma2 semaphore(%run_scoped3A_273 : memref<!tpu.dma_semaphore, #tpu.memory_space<semaphore_mem>>) src(%arg8 : memref<1000000xf32, #tpu.memory_space<vmem_shared>>) dst(%arg5 : memref<1000000xf32, #tpu.memory_space<hbm>>)
        tpu.yield
      }) : () -> ()
    } else {
    }
    return
  }
}

module attributes {stable_mosaic.version = 14 : i64} {
  func.func @body(%arg0: i32, %arg1: memref<64x65536xf32, #tpu.memory_space<vmem>>, %arg2: memref<65536xf32, #tpu.memory_space<vmem>>, %arg3: memref<65536xf32, #tpu.memory_space<vmem>>, %arg4: memref<5x64xf32, #tpu.memory_space<vmem>>, %arg5: memref<5x1xf32, #tpu.memory_space<vmem>>, %arg6: memref<5xf32, #tpu.memory_space<vmem>>, %arg7: memref<64x1xf32, #tpu.memory_space<vmem>>) attributes {dimension_semantics = [#tpu.dimension_semantics<arbitrary>], iteration_bounds = array<i64: 16>, scalar_prefetch = 0 : i64, scratch_operands = 1 : i64, tpu.core_type = #tpu.core_type<tc>, window_params = [{transform_indices = @transform_0, window_bounds = array<i64: 64, 65536>}, {transform_indices = @transform_1, window_bounds = array<i64: 65536>}, {transform_indices = @transform_2, window_bounds = array<i64: 65536>}, {pipeline_mode = #tpu.pipeline_mode<synchronous>, transform_indices = @transform_3, window_bounds = array<i64: 5, 64>}, {pipeline_mode = #tpu.pipeline_mode<synchronous>, transform_indices = @transform_4, window_bounds = array<i64: 5, 1>}, {pipeline_mode = #tpu.pipeline_mode<synchronous>, transform_indices = @transform_5, window_bounds = array<i64: 5>}]} {
    %eq3A = arith.constant 0 : i32
    %eq3A_0 = arith.cmpi eq, %arg0, %eq3A : i32
    %convert_element_type3A = arith.extui %eq3A_0 : i1 to i32
    %cond3A = arith.constant 0 : i32
    %cond3A_1 = arith.cmpi ne, %convert_element_type3A, %cond3A : i32
    scf.if %cond3A_1 {
      %broadcast_in_dim3A_19 = arith.constant 0.000000e+00 : f32
      %broadcast_in_dim3A_20 = vector.broadcast %broadcast_in_dim3A_19 : f32 to vector<64x1xf32>
      %swap3A = arith.constant 0 : index
      %swap3A_21 = arith.constant 0 : index
      %swap3A_22 = vector.load %arg7[%swap3A, %swap3A_21] : memref<64x1xf32, #tpu.memory_space<vmem>>, vector<64x1xf32>
      tpu.vector_store %arg7[%swap3A, %swap3A_21], %broadcast_in_dim3A_20 {strides = array<i32>} : memref<64x1xf32, #tpu.memory_space<vmem>>, vector<64x1xf32>,
    } else {
    }
    %get3A = arith.constant 0 : index
    %get3A_2 = vector.load %arg2[%get3A] : memref<65536xf32, #tpu.memory_space<vmem>>, vector<65536xf32>
    %get3A_3 = arith.constant 0 : index
    %get3A_4 = vector.load %arg3[%get3A_3] : memref<65536xf32, #tpu.memory_space<vmem>>, vector<65536xf32>
    %add3A = arith.addf %get3A_2, %get3A_4 : vector<65536xf32>
    %broadcast_in_dim3A = vector.shape_cast %add3A : vector<65536xf32> to vector<1x65536xf32>
    %lt3A = arith.constant 15 : i32
    %lt3A_5 = arith.cmpi slt, %arg0, %lt3A : i32
    %convert_element_type3A_6 = arith.extui %lt3A_5 : i1 to i32
    %cond3A_7 = arith.constant 0 : i32
    %cond3A_8 = arith.cmpi ne, %convert_element_type3A_6, %cond3A_7 : i32
    scf.if %cond3A_8 {
      %get3A_19 = arith.constant 0 : index
      %get3A_20 = arith.constant 0 : index
      %get3A_21 = vector.load %arg1[%get3A_19, %get3A_20] : memref<64x65536xf32, #tpu.memory_space<vmem>>, vector<64x65536xf32>
      %mul3A = vector.broadcast %broadcast_in_dim3A : vector<1x65536xf32> to vector<64x65536xf32>
      %mul3A_22 = arith.mulf %get3A_21, %mul3A : vector<64x65536xf32>
      %get3A_23 = arith.constant 0 : index
      %get3A_24 = arith.constant 0 : index
      %get3A_25 = vector.load %arg7[%get3A_23, %get3A_24] : memref<64x1xf32, #tpu.memory_space<vmem>>, vector<64x1xf32>
      %reduce_sum3A = arith.constant dense<0.000000e+00> : vector<64xf32>
      %reduce_sum3A_26 = vector.multi_reduction <add>, %mul3A_22, %reduce_sum3A [1] : vector<64x65536xf32> to vector<64xf32>
      %broadcast_in_dim3A_27 = vector.shape_cast %reduce_sum3A_26 : vector<64xf32> to vector<64x1xf32>
      %add3A_28 = arith.addf %get3A_25, %broadcast_in_dim3A_27 : vector<64x1xf32>
      %swap3A = arith.constant 0 : index
      %swap3A_29 = arith.constant 0 : index
      %swap3A_30 = vector.load %arg7[%swap3A, %swap3A_29] : memref<64x1xf32, #tpu.memory_space<vmem>>, vector<64x1xf32>
      tpu.vector_store %arg7[%swap3A, %swap3A_29], %add3A_28 {strides = array<i32>} : memref<64x1xf32, #tpu.memory_space<vmem>>, vector<64x1xf32>,
    } else {
    }
    %eq3A_9 = arith.constant 15 : i32
    %eq3A_10 = arith.cmpi eq, %arg0, %eq3A_9 : i32
    %convert_element_type3A_11 = arith.extui %eq3A_10 : i1 to i32
    %cond3A_12 = arith.constant 0 : i32
    %cond3A_13 = arith.cmpi ne, %convert_element_type3A_11, %cond3A_12 : i32
    scf.if %cond3A_13 {
      %iota3A = tpu.iota {dimensions = array<i32: 1>} : vector<1x65536xi32>
      %mul3A = arith.constant 65536 : i32
      %mul3A_19 = arith.muli %arg0, %mul3A : i32
      %sub3A = arith.constant 1000000 : i32
      %sub3A_20 = arith.subi %sub3A, %mul3A_19 : i32
      %lt3A_21 = vector.broadcast %sub3A_20 : i32 to vector<1x65536xi32>
      %lt3A_22 = arith.cmpi slt, %iota3A, %lt3A_21 : vector<1x65536xi32>
      %get3A_23 = arith.constant 0 : index
      %get3A_24 = arith.constant 0 : index
      %get3A_25 = vector.load %arg1[%get3A_23, %get3A_24] : memref<64x65536xf32, #tpu.memory_space<vmem>>, vector<64x65536xf32>
      %mul3A_26 = vector.broadcast %broadcast_in_dim3A : vector<1x65536xf32> to vector<64x65536xf32>
      %mul3A_27 = arith.mulf %get3A_25, %mul3A_26 : vector<64x65536xf32>
      %jit3A = arith.constant 0.000000e+00 : f32
      %broadcast_in_dim3A_28 = vector.shape_cast %lt3A_22 : vector<1x65536xi1> to vector<1x65536xi1>
      %broadcast_in_dim3A_29 = vector.broadcast %broadcast_in_dim3A_28 : vector<1x65536xi1> to vector<64x65536xi1>
      %broadcast_in_dim3A_30 = vector.broadcast %jit3A : f32 to vector<64x65536xf32>
      %select_n3A = arith.select %broadcast_in_dim3A_29, %mul3A_27, %broadcast_in_dim3A_30 : vector<64x65536xi1>, vector<64x65536xf32>
      %get3A_31 = arith.constant 0 : index
      %get3A_32 = arith.constant 0 : index
      %get3A_33 = vector.load %arg7[%get3A_31, %get3A_32] : memref<64x1xf32, #tpu.memory_space<vmem>>, vector<64x1xf32>
      %reduce_sum3A = arith.constant dense<0.000000e+00> : vector<64xf32>
      %reduce_sum3A_34 = vector.multi_reduction <add>, %select_n3A, %reduce_sum3A [1] : vector<64x65536xf32> to vector<64xf32>
      %broadcast_in_dim3A_35 = vector.shape_cast %reduce_sum3A_34 : vector<64xf32> to vector<64x1xf32>
      %add3A_36 = arith.addf %get3A_33, %broadcast_in_dim3A_35 : vector<64x1xf32>
      %swap3A = arith.constant 0 : index
      %swap3A_37 = arith.constant 0 : index
      %swap3A_38 = vector.load %arg7[%swap3A, %swap3A_37] : memref<64x1xf32, #tpu.memory_space<vmem>>, vector<64x1xf32>
      tpu.vector_store %arg7[%swap3A, %swap3A_37], %add3A_36 {strides = array<i32>} : memref<64x1xf32, #tpu.memory_space<vmem>>, vector<64x1xf32>,
    } else {
    }
    %eq3A_14 = arith.constant 15 : i32
    %eq3A_15 = arith.cmpi eq, %arg0, %eq3A_14 : i32
    %convert_element_type3A_16 = arith.extui %eq3A_15 : i1 to i32
    %cond3A_17 = arith.constant 0 : i32
    %cond3A_18 = arith.cmpi ne, %convert_element_type3A_16, %cond3A_17 : i32
    scf.if %cond3A_18 {
      %get3A_19 = arith.constant 0 : index
      %get3A_20 = arith.constant 0 : index
      %get3A_21 = vector.load %arg7[%get3A_19, %get3A_20] : memref<64x1xf32, #tpu.memory_space<vmem>>, vector<64x1xf32>
      %mul3A = arith.constant 6.10351563E-5 : f32
      %mul3A_22 = vector.broadcast %mul3A : f32 to vector<64x1xf32>
      %mul3A_23 = arith.mulf %get3A_21, %mul3A_22 : vector<64x1xf32>
      %get3A_24 = arith.constant 0 : index
      %get3A_25 = arith.constant 0 : index
      %get3A_26 = vector.load %arg4[%get3A_24, %get3A_25] : memref<5x64xf32, #tpu.memory_space<vmem>>, vector<5x64xf32>
      %dot_general3A = arith.constant dense<0.000000e+00> : vector<5x1xf32>
      %dot_general3A_27 = tpu.matmul %get3A_26, %mul3A_23, %dot_general3A {dimension_numbers = #tpu.dot_dimension_numbers<[1], [0], [0], [1], [0, 0, 1, 1], [], []>, transpose_lhs_hint = false} : vector<5x64xf32>, vector<64x1xf32>, vector<5x1xf32> -> vector<5x1xf32>
      %get3A_28 = arith.constant 0 : index
      %get3A_29 = arith.constant 0 : index
      %get3A_30 = vector.load %arg5[%get3A_28, %get3A_29] : memref<5x1xf32, #tpu.memory_space<vmem>>, vector<5x1xf32>
      %add3A_31 = arith.addf %dot_general3A_27, %get3A_30 : vector<5x1xf32>
      %squeeze3A = vector.shape_cast %add3A_31 : vector<5x1xf32> to vector<5xf32>
      %swap3A = arith.constant 0 : index
      %swap3A_32 = vector.load %arg6[%swap3A] : memref<5xf32, #tpu.memory_space<vmem>>, vector<5xf32>
      tpu.vector_store %arg6[%swap3A], %squeeze3A {strides = array<i32>} : memref<5xf32, #tpu.memory_space<vmem>>, vector<5xf32>,
    } else {
    }
    return
  }
  func.func @transform_0(%arg0: i32) -> (i32, i32) {
    %c0_i32 = arith.constant 0 : i32
    %c0_i32_0 = arith.constant 0 : i32
    return %c0_i32, %arg0 : i32, i32
  }
  func.func @transform_1(%arg0: i32) -> i32 {
    %c0_i32 = arith.constant 0 : i32
    return %arg0 : i32
  }
  func.func @transform_2(%arg0: i32) -> i32 {
    %c0_i32 = arith.constant 0 : i32
    return %arg0 : i32
  }
  func.func @transform_3(%arg0: i32) -> (i32, i32) {
    %c0_i32 = arith.constant 0 : i32
    %c0_i32_0 = arith.constant 0 : i32
    %c0_i32_1 = arith.constant 0 : i32
    return %c0_i32, %c0_i32_0 : i32, i32
  }
  func.func @transform_4(%arg0: i32) -> (i32, i32) {
    %c0_i32 = arith.constant 0 : i32
    %c0_i32_0 = arith.constant 0 : i32
    %c0_i32_1 = arith.constant 0 : i32
    return %c0_i32, %c0_i32_0 : i32, i32
  }
  func.func @transform_5(%arg0: i32) -> i32 {
    %c0_i32 = arith.constant 0 : i32
    %c0_i32_0 = arith.constant 0 : i32
    return %c0_i32 : i32
  }
}

</mosaic_0001>

<sc_bundles>
// kernel: kernel.4.cloned.1.call-start
scs
__scs_entry_jumppad:
0x0: {  	(pc) =	sbr.rel $0x88, $3  }
0x1: {  	(tag) =	ssettag $0x0;
	lr =	simm.s32 $0x1  }
0x2: {  	[smem:$0x3F9D] =	sst lr;
	_ =	strace $0xD0000000  }
0x3: {  	_ = 	snop  }
0x4: {  	_ = 	snop  }
0x5: {  	_ = 	snop  }
0x6: {  	_ = 	snop  }
0x7: {  	_ = 	snop  }
__scs_overlays_trampoline_lowered:
0x8: {  	[smem:$0x3FAC] =	sst s0  }
0x9: {  	[smem:$0x3FAD] =	sst s1  }
0xa: {  	[smem:$0x3FAE] =	sst s2  }
0xb: {  	[smem:$0x3FAF] =	sst s3  }
0xc: {  	[smem:$0x3FB0] =	sst s4  }
0xd: {  	[smem:$0x3FB1] =	sst s5  }
0xe: {  	[smem:$0x3FB2] =	sst s6  }
0xf: {  	[smem:$0x3FB3] =	sst s7  }
0x10: {  	[smem:$0x3FB4] =	sst s8  }
0x11: {  	[smem:$0x3FB5] =	sst s9;
	s0 =	simm.s32 @!p0 $0x0  }
0x12: {  	s1 =	sld [smem:$0x3F9B];
	s0 =	simm.s32 @p0 $0x1  }
0x13: {  	[smem:$0x3FB6] =	sst s0;
	s0 =	simm.s32 @!p1 $0x0  }
0x14: {  	s2 =	sld [smem:$0x3F9A];
	s0 =	simm.s32 @p1 $0x1  }
0x15: {  	[smem:$0x3FB7] =	sst s0;
	s0 =	simm.s32 @!p2 $0x0  }
0x16: {  	s3 =	sld [smem:$0x3FDB];
	s0 =	simm.s32 @p2 $0x1  }
0x17: {  	s4 =	simm.s32 $0x1BF5;
	[smem:$0x3FB9] =	sst s0  }
0x18: {  	s0 =	sld [smem:$0x3F9C];
	_ =	swait.ge [sflag:s4], $0x0  }
0x19: {  	s7 =	sld [smem:$0x3F9D]  }
0x1a: {  	s8 =	sadd.s32 $0xFFFFE003, lr  }
0x1b: {  	s9 =	sadd.s32 $0xFFFFFEF7, lr;
	s5 =	simm.s32 $0xFFFFFFFF;
	p2 =	slt.u32 s8, $0xFFFFF086  }
0x1c: {  	p1 =	slt.u32 s9, $0xF7A;
	s5 =	simm.s32 @!p2 $0x0  }
0x1d: {  	s5 =	simm.s32 @p1 $0x1;
	p0 =	seq.s32 s7, s2  }
0x1e: {  	s7 =	smul.u32 @!p0 $0xF7A, s2;
	p2 =	seq.s32 @!p0 s5, $0x0  }
0x1f: {  	s9 =	smul.u32 $0xF7A, s1;
	s8 =	simm.s32 @!p0 $0x1BF5;
	p2 =	por !p2, p0  }
0x20: {  	[sflag:s8] =	ssyncset.s32 @!p0 $0xFFFFF086;
	s6 =	sadd.s32 @!p0 s3, s7;
	s7 =	simm.s32 @!p0 $0x108  }
0x21: {  	s3 =	sadd.s32 s3, s9;
	s6 =	sadd.s32 @!p0 $0x88, s6;
	s7 =	simm.s32 @p2 $0x1082  }
0x22: {  	[simem:s7], [sflag:s8] =	dma.local @!p0 [hbm:s6], $0xF7A  }
0x23: {  	s9 =	sor.u32 $0xD0000000, s2;
	s6 =	simm.s32 $0x108;
	_ =	swait.ge @!p0 [sflag:s8], $0x0  }
0x24: {  	s3 =	sadd.s32 $0x88, s3;
	s6 =	simm.s32 @!p1 $0x1082;
	[sflag:s4] =	ssyncset.s32 $0xFFFFF086  }
0x25: {  	[simem:s6], [sflag:s4] =	dma.local [hbm:s3], $0xF7A  }
0x26: {  	[smem:$0x3F9D] =	sst s1;
	(tag) =	ssettag s2;
	_ =	strace s9  }
0x27: {  	s1 =	sld [smem:$0x3FAD]  }
0x28: {  	s2 =	sld [smem:$0x3FAE]  }
0x29: {  	s4 =	sld [smem:$0x3FB0]  }
0x2a: {  	p0 =	seq.s32 s5, $0x0;
	s5 =	sld [smem:$0x3FB1]  }
0x2b: {  	s6 =	sld [smem:$0x3FB2]  }
0x2c: {  	s7 =	sld [smem:$0x3FB3]  }
0x2d: {  	s3 =	simm.s32 $0x108;
	s8 =	sld [smem:$0x3FB4]  }
0x2e: {  	s3 =	simm.s32 @!p0 $0x1082;
	s9 =	sld [smem:$0x3FB5]  }
0x2f: {  	lr =	sadd.s32 s0, s3;
	s0 =	sld [smem:$0x3FAC]  }
0x30: {  	s3 =	sld [smem:$0x3FAF]  }
0x31: {  	[smem:$0x3FB8] =	sst s10  }
0x32: {  	s10 =	sld [smem:$0x3FB6];
	_ =	sdelay $0x3  }
0x33: {  	p0 =	seq.s32 s10, $0x1;
	s10 =	sld [smem:$0x3FB8];
	_ =	sdelay $0x3  }
0x34: {  	[smem:$0x3FB8] =	sst s10  }
0x35: {  	s10 =	sld [smem:$0x3FB7];
	_ =	sdelay $0x3  }
0x36: {  	p1 =	seq.s32 s10, $0x1;
	s10 =	sld [smem:$0x3FB8];
	_ =	sdelay $0x3  }
0x37: {  	[smem:$0x3FB8] =	sst s10  }
0x38: {  	s10 =	sld [smem:$0x3FB9]  }
0x39: {  	_ = 	snop;
	(pc) =	sbr.ind lr, $3  }
0x3a: {  	_ = 	snop  }
0x3b: {  	_ = 	snop  }
0x3c: {  	p2 =	seq.s32 s10, $0x1;
	s10 =	sld [smem:$0x3FB8]  }
0x3d: {  	_ =	shalt  }
0x3e: {  	_ =	shalt  }
0x3f: {  	_ =	shalt  }
0x40: {  	_ =	shalt  }
0x41: {  	_ =	shalt  }
0x42: {  	_ =	shalt  }
0x43: {  	_ =	shalt  }
0x44: {  	_ =	shalt  }
0x45: {  	_ =	shalt  }
0x46: {  	_ =	shalt  }
0x47: {  	_ =	shalt  }
0x48: {  	_ =	shalt  }
0x49: {  	_ =	shalt  }
0x4a: {  	_ =	shalt  }
0x4b: {  	_ =	shalt  }
0x4c: {  	_ =	shalt  }
0x4d: {  	_ =	shalt  }
0x4e: {  	_ =	shalt  }
0x4f: {  	_ =	shalt  }
0x50: {  	_ =	shalt  }
0x51: {  	_ =	shalt  }
0x52: {  	_ =	shalt  }
0x53: {  	_ =	shalt  }
0x54: {  	_ =	shalt  }
0x55: {  	_ =	shalt  }
0x56: {  	_ =	shalt  }
0x57: {  	_ =	shalt  }
0x58: {  	_ =	shalt  }
0x59: {  	_ =	shalt  }
0x5a: {  	_ =	shalt  }
0x5b: {  	_ =	shalt  }
0x5c: {  	_ =	shalt  }
0x5d: {  	_ =	shalt  }
0x5e: {  	_ =	shalt  }
0x5f: {  	_ =	shalt  }
0x60: {  	_ =	shalt  }
0x61: {  	_ =	shalt  }
0x62: {  	_ =	shalt  }
0x63: {  	_ =	shalt  }
0x64: {  	_ =	shalt  }
0x65: {  	_ =	shalt  }
0x66: {  	_ =	shalt  }
0x67: {  	_ =	shalt  }
0x68: {  	_ =	shalt  }
0x69: {  	_ =	shalt  }
0x6a: {  	_ =	shalt  }
0x6b: {  	_ =	shalt  }
0x6c: {  	_ =	shalt  }
0x6d: {  	_ =	shalt  }
0x6e: {  	_ =	shalt  }
0x6f: {  	_ =	shalt  }
0x70: {  	_ =	shalt  }
0x71: {  	_ =	shalt  }
0x72: {  	_ =	shalt  }
0x73: {  	_ =	shalt  }
0x74: {  	_ =	shalt  }
0x75: {  	_ =	shalt  }
0x76: {  	_ =	shalt  }
0x77: {  	_ =	shalt  }
0x78: {  	_ =	shalt  }
0x79: {  	_ =	shalt  }
0x7a: {  	_ =	shalt  }
0x7b: {  	_ =	shalt  }
0x7c: {  	_ =	shalt  }
0x7d: {  	_ =	shalt  }
0x7e: {  	_ =	shalt  }
0x7f: {  	_ =	shalt  }
0x80: {  	_ =	shalt  }
0x81: {  	_ =	shalt  }
0x82: {  	_ =	shalt  }
0x83: {  	_ =	shalt  }
0x84: {  	_ =	shalt  }
0x85: {  	_ =	shalt  }
0x86: {  	_ =	shalt  }
0x87: {  	_ =	shalt  }
.Lfunc_end0:
.L_simem_size_0:
called_computation_lowered:
.L_overlay_start_0:
0x88: {  	s2 =	sld [smem:$0x3FD9]  }
0x89: {  	s3 =	sld [smem:$0x3FFE];
	_ =	sdelay $0x1  }
0x8a: {  	s1 =	srdreg.scid  }
0x8b: {  	s0 =	sand.u32 $0x1, s1  }
0x8c: {  	s17 =	sshll.u32 s0, $0xA;
	s2 =	sadd.s32 s3, s2  }
0x8d: {  	s2 =	sadd.s32 s2, s17  }
0x8e: {  	[smem:$0x3FC4] =	sst s2  }
0x8f: {  	_ = 	snop  }
0x90: {  	s2 =	sld [smem:$0x3FC9];
	(tm) =	ssettm $0x1  }
0x91: {  	s18 =	sld [smem:$0x3FFB];
	_ =	sdelay $0x3  }
0x92: {  	_ =	strace s18  }
0x93: {  	s3 =	sld [smem:$0x3FFC];
	_ =	sdelay $0x3  }
0x94: {  	_ =	strace s3  }
0x95: {  	s3 =	sld [smem:$0x3FFD];
	_ =	sdelay $0x3  }
0x96: {  	_ =	strace s3  }
0x97: {  	_ =	strace $0x8FFFFFFF  }
0x98: {  	s19 =	sld [smem:$0x3FDB];
	_ =	sdelay $0x1  }
0x99: {  	s4 =	simm.s32 $_scs_section_size  }
0x9a: {  	s5 =	simm.s32 $_size__tile_overlayer_lowered;
	s6 =	simm.s32 $_tile_overlayer_lowered  }
0x9b: {  	s22 =	simm.s32 $0x1BFF;
	s21 =	sshll.u32 s6, $0x1;
	s3 =	sadd.s32 s4, s19  }
0x9c: {  	s7 =	simm.s32 $0x0;
	s20 =	sshll.u32 s5, $0x1;
	s5 =	sadd.s32 s21, s3  }
0x9d: {  	[timem:s7], [sflag:s22] =	dma.local [hbm:s5], s20  }
0x9e: {  	_ =	swait.ge [sflag:s22], s20  }
0x9f: {  	s4 =	ssub.s32 $0x0, s20;
	[sflag:s22] =	ssyncset.done $0x0  }
0xa0: {  	[sflag:s22] =	ssyncadd.s32 s4;
	_ =	sdelay $0x1  }
0xa1: {  	s23 =	simm.s32 $0x1B8B  }
0xa2: {  	_ =	swait.ge [sflag:s23], $0x1  }
0xa3: {  	[sflag:s23] =	ssyncset.done $0x0  }
0xa4: {  	s25 =	simm.s32 $0x1B8E;
	s24 =	sld [smem:$0x3FFE];
	[sflag:s23] =	ssyncadd.s32 $0xFFFFFFFF  }
0xa5: {  	s26 =	simm.s32 $execute0_lowered;
	[smem:$0x3FD2] =	sst s25  }
0xa6: {  	s5 =	sshll.u32 s26, $0x1;
	_ =	strace $0x80000046;
	[dreg:$0x1] =	wrdreg $0xFFFFFFFF  }
0xa7: {  	s28 =	simm.s32 $_size_execute0_lowered;
	s3 =	sadd.s32 s3, s5;
	[dreg:$0x0] =	wrdreg $0x0  }
0xa8: {  	s5 =	sshll.u32 s28, $0x1;
	[dreg:$0x2] =	wrdreg s3  }
0xa9: {  	[dreg:$0x3] =	wrdreg s5  }
0xaa: {  	[dreg:$0x4] =	wrdreg $0xC0  }
0xab: {  	_ =	task [dreg:s7], $0x5FFFF  }
0xac: {  	[dreg:$0x1] =	wrdreg $0xFFFFFFFF  }
0xad: {  	[dreg:$0x0] =	wrdreg $0x60  }
0xae: {  	[dreg:$0x2] =	wrdreg s2  }
0xaf: {  	[dreg:$0x3] =	wrdreg s24  }
0xb0: {  	[dreg:$0x4] =	wrdreg $0x4000  }
0xb1: {  	[dreg:$0x5] =	wrdreg $0x9  }
0xb2: {  	_ =	task.clear_ibuf [dreg:s7], $0x6FFFF;
	_ =	strace $0x90000046  }
0xb3: {  	s29 =	simm.s32 $0x9;
	_ =	strace $0x80000048  }
0xb4: {  	_ =	swait.ge [sflag:s29], $0x1  }
0xb5: {  	[sflag:s29] =	ssyncadd.s32 $0xFFFFFFFF  }
0xb6: {  	_ =	strace $0x90000048  }
0xb7: {  	_ =	sfence  }
0xb8: {  	s30 =	sld [smem:$0x0];
	_ =	sdelay $0x2  }
0xb9: {  	s31 =	sshll.u32 s1, $0xD;
	s1 =	sshrl.u32 s1, $0x2  }
0xba: {  	s3 =	sand.u32 $0x4000, s31;
	s1 =	sadd.s32 s1, s30  }
0xbb: {  	s0 =	sor.u32 s3, s0;
	s1 =	sshll.u32 s1, $0x11  }
0xbc: {  	s0 =	sor.u32 s1, s0  }
0xbd: {  	s0 =	sadd.s32 $0x8F2B, s0  }
0xbe: {  	[sflag:s0] =	ssyncadd.remote.s32 $0x1  }
0xbf: {  	_ =	sfence.sel $0xFFFF  }
0xc0: {  	[dreg:$0x0] =	wrdreg $0xFFFFFFFF;
	(pc) =	sbr.abs _section_cstart, $3  }
0xc1: {  	[dreg:$0x1] =	wrdreg $0xFFFFFFFF  }
0xc2: {  	_ =	task.clear_ibuf [dreg:s7], $0x2FFFF;
	_ =	strace $0x9FFFFFFF  }
0xc3: {  	(tm) =	ssettm $0x7FFFFFFF  }
tec
execute0_lowered:
.L_overlay_start_1:
0x0: {  	(tag) =	ssettag $0x1  }
0x1: {  	s9 =	rddreg [dreg:$0x0]  }
0x2: {  	s3 =	rddreg [dreg:$0x1]  }
0x3: {  	s1 =	rddreg [dreg:$0x2]  }
0x4: {  	s0 =	rddreg [dreg:$0x3];
	s2 =	simm.s32 $0x0  }
0x5: {  	s11 =	stileid.u32;
	[smem:$0x7FF] =	sst s2  }
0x6: {  	s5 =	sadd.s32 $0xA00, s3;
	p0 =	sne.s32 s11, $0x0;
	_ =	strace $0x80000047  }
0x7: {  	s6 =	sshrl.u32 @!p0 s1, $0x3;
	s7 =	simm.s32 @!p0 $0x1C01;
	s8 =	simm.s32 @!p0 $0x1  }
0x8: {  	[spmem:s6], [sflag:s7] =	dma.local @!p0 [hbm:s5], $0x1E850  }
0x9: {  	_ =	swait.ge @!p0 [sflag:s8], $0x1E850  }
0xa: {  	[sflag:s8] =	ssyncset.done @!p0 $0x0  }
0xb: {  	v0 =	vimm.f32 $1.000000000e+00;
	[sflag:s8] =	ssyncadd.s32 @!p0 $0xFFFE17B0  }
0xc: {  	[tilespmem:$0x3F0] =	vst v0  }
0xd: {  	[tilespmem:$0x3E0] =	vst v0  }
0xe: {  	[tilespmem:$0x3D0] =	vst v0  }
0xf: {  	[tilespmem:$0x3C0] =	vst v0  }
0x10: {  	[tilespmem:$0x3B0] =	vst v0  }
0x11: {  	s4 =	srdreg.scid;
	[tilespmem:$0x3A0] =	vst v0  }
0x12: {  	s10 =	sand.u32 $0x1, s4;
	[tilespmem:$0x390] =	vst v0  }
0x13: {  	s12 =	ssub.s32 $0x2, s10;
	[tilespmem:$0x380] =	vst v0  }
0x14: {  	s13 =	sshrl.u32 s12, $0x1;
	[tilespmem:$0x370] =	vst v0  }
0x15: {  	s14 =	sshll.u32 s11, $0x6;
	s12 =	ssub.s32 s12, s13;
	[tilespmem:$0x360] =	vst v0  }
0x16: {  	s15 =	sshll.u32 s10, $0xA;
	s9 =	sadd.s32 s9, s14;
	s12 =	smax.u32 s12, $0x1;
	[tilespmem:$0x350] =	vst v0  }
0x17: {  	s9 =	sadd.s32 s15, s9;
	s15 =	sadd.s32 $0xFFFFFFFF, s12;
	[tilespmem:$0x340] =	vst v0  }
0x18: {  	[tilespmem:$0x330] =	vst v0;
	p3 =	sne.s32 s15, $0x0  }
.Ltmp0:
0x19: {  	s4 =	sadd.s32 $0x1F400, s3;
	s3 =	sadd.s32 $0x3DE00, s3;
	[tilespmem:$0x320] =	vst v0;
	(pc) =	sbr.rel @!p3 .LBB2_2-.Ltmp0, $4  }
0x1a: {  	p1 =	seq.s32 s11, $0x0;
	p2 =	seq.s32 s10, $0x1;
	s10 =	sor.u32 s10, s11;
	[tilespmem:$0x310] =	vst v0  }
0x1b: {  	s14 =	simm.s32 $0x200;
	p1 =	por !p1, !p2;
	p2 =	sne.s32 s10, $0x0;
	[tilespmem:$0x300] =	vst v0  }
0x1c: {  	s10 =	simm.s32 $0x1;
	p1 =	por !p1, !p1;
	s11 =	sshll.u32 @!p2 s11, $0x6;
	[tilespmem:$0x2F0] =	vst v0  }
0x1d: {  	s13 =	sshrl.u32 @!p2 s1, $0x3;
	s12 =	sor.u32 @!p2 $0x1C01, s11;
	s11 =	sshrl.u32 @p1 s1, $0x3;
	[tilespmem:$0x2E0] =	vst v0  }
.LBB2_1:
0x1e: {  	s15 =	sadd.s32 $0xFFFFFFFF, s15;
	[tilespmem:$0x2D0] =	vst v0  }
0x1f: {  	p3 =	sne.s32 s15, $0x0;
	[tilespmem:$0x2C0] =	vst v0  }
0x20: {  	[tilespmem:$0x2B0] =	vst v0  }
0x21: {  	[tilespmem:$0x2A0] =	vst v0  }
0x22: {  	[tilespmem:$0x290] =	vst v0  }
0x23: {  	[tilespmem:$0x280] =	vst v0  }
0x24: {  	[tilespmem:$0x270] =	vst v0  }
0x25: {  	[tilespmem:$0x260] =	vst v0  }
0x26: {  	[tilespmem:$0x250] =	vst v0  }
0x27: {  	[tilespmem:$0x240] =	vst v0  }
0x28: {  	[tilespmem:$0x230] =	vst v0  }
0x29: {  	[tilespmem:$0x220] =	vst v0  }
0x2a: {  	[tilespmem:$0x200] =	vst v0  }
0x2b: {  	[tilespmem:$0x210] =	vst v0  }
0x2c: {  	[tilespmem:s2], [sflag:$0x1] =	stream.linear.gather [hbm4b:s9+s2], $0x200, $0x38;
	[tilespmem:$0xF828] =	vst v63  }
0x2d: {  	_ =	swait.ge [sflag:s10], $0x200  }
0x2e: {  	[sflag:s10] =	ssyncset.done $0x0  }
0x2f: {  	[sflag:s10] =	ssyncadd.s32 $0xFFFFFE00  }
0x30: {  	[bflag:$0x0] =	sbarrier.arrive $0xFFFF  }
0x31: {  	[spmem:s1] =	stream.indirect.scatter.add.f32 [tilespmem:s14], [sflag:$0x1], $0x1, s2, s14, $0xb8;
	[tilespmem:$0xF828] =	vst v63  }
0x32: {  	_ =	swait.ge [sflag:s10], $0x200  }
0x33: {  	[sflag:s10] =	ssyncset.done $0x0  }
0x34: {  	[sflag:s10] =	ssyncadd.s32 $0xFFFFFE00  }
0x35: {  	s16 =	simm.s32 @!p2 $0x1;
	[bflag:$0x0] =	sbarrier.arrive $0xFFFF  }
0x36: {  	[hbm:s4], [sflag:s12] =	dma.local @!p2 [spmem:s13], $0x1E850  }
0x37: {  	_ =	swait.ge @!p2 [sflag:s16], $0x1E850  }
0x38: {  	s17 =	simm.s32 @p1 $0x1C01;
	[sflag:s16] =	ssyncset.done @!p2 $0x0  }
0x39: {  	[sflag:s16] =	ssyncadd.s32 @!p2 $0xFFFE17B0;
	s16 =	simm.s32 @p1 $0x1  }
0x3a: {  	[hbm:s3], [sflag:s17] =	dma.local @p1 [spmem:s11], $0x1E850  }
0x3b: {  	_ =	swait.ge @p1 [sflag:s16], $0x1E850  }
0x3c: {  	[sflag:s16] =	ssyncset.done @p1 $0x0  }
0x3d: {  	[sflag:s16] =	ssyncadd.s32 @p1 $0xFFFE17B0  }
0x3e: {  	[spmem:s6], [sflag:s7] =	dma.local @!p0 [hbm:s5], $0x1E850  }
0x3f: {  	_ =	swait.ge @!p0 [sflag:s8], $0x1E850  }
0x40: {  	[sflag:s8] =	ssyncset.done @!p0 $0x0  }
0x41: {  	[sflag:s8] =	ssyncadd.s32 @!p0 $0xFFFE17B0  }
0x42: {  	[tilespmem:$0x3F0] =	vst v0  }
0x43: {  	[tilespmem:$0x3E0] =	vst v0  }
0x44: {  	[tilespmem:$0x3D0] =	vst v0  }
0x45: {  	[tilespmem:$0x3C0] =	vst v0  }
0x46: {  	[tilespmem:$0x3B0] =	vst v0  }
0x47: {  	[tilespmem:$0x3A0] =	vst v0  }
0x48: {  	[tilespmem:$0x390] =	vst v0  }
0x49: {  	[tilespmem:$0x380] =	vst v0  }
0x4a: {  	[tilespmem:$0x370] =	vst v0  }
0x4b: {  	[tilespmem:$0x360] =	vst v0  }
0x4c: {  	[tilespmem:$0x350] =	vst v0  }
0x4d: {  	[tilespmem:$0x340] =	vst v0  }
0x4e: {  	[tilespmem:$0x330] =	vst v0  }
.Ltmp1:
0x4f: {  	[tilespmem:$0x320] =	vst v0;
	(pc) =	sbr.rel @p3 .LBB2_1-.Ltmp1, $4  }
0x50: {  	[tilespmem:$0x310] =	vst v0  }
0x51: {  	[tilespmem:$0x300] =	vst v0  }
0x52: {  	[tilespmem:$0x2F0] =	vst v0  }
0x53: {  	[tilespmem:$0x2E0] =	vst v0  }
.LBB2_2:
0x54: {  	[tilespmem:$0x2D0] =	vst v0  }
0x55: {  	[tilespmem:$0x2C0] =	vst v0  }
0x56: {  	[tilespmem:$0x2B0] =	vst v0  }
0x57: {  	[tilespmem:$0x2A0] =	vst v0  }
0x58: {  	[tilespmem:$0x290] =	vst v0  }
0x59: {  	[tilespmem:$0x280] =	vst v0  }
0x5a: {  	[tilespmem:$0x270] =	vst v0  }
0x5b: {  	[tilespmem:$0x260] =	vst v0  }
0x5c: {  	[tilespmem:$0x250] =	vst v0  }
0x5d: {  	[tilespmem:$0x240] =	vst v0  }
0x5e: {  	[tilespmem:$0x230] =	vst v0  }
0x5f: {  	[tilespmem:$0x220] =	vst v0  }
0x60: {  	[tilespmem:$0x200] =	vst v0  }
0x61: {  	[tilespmem:$0x210] =	vst v0  }
0x62: {  	[tilespmem:s2], [sflag:$0x1] =	stream.linear.gather [hbm4b:s9+s2], $0x200, $0x38;
	[tilespmem:$0xF828] =	vst v63  }
0x63: {  	_ =	swait.ge [sflag:s10], $0x200  }
0x64: {  	[sflag:s10] =	ssyncset.done $0x0  }
0x65: {  	[sflag:s10] =	ssyncadd.s32 $0xFFFFFE00  }
0x66: {  	[bflag:$0x0] =	sbarrier.arrive $0xFFFF  }
0x67: {  	[spmem:s1] =	stream.indirect.scatter.add.f32 [tilespmem:s14], [sflag:$0x1], $0x1, s2, s14, $0xb8;
	[tilespmem:$0xF828] =	vst v63  }
0x68: {  	_ =	swait.ge [sflag:s10], $0x200  }
0x69: {  	[sflag:s10] =	ssyncset.done $0x0  }
0x6a: {  	[sflag:s10] =	ssyncadd.s32 $0xFFFFFE00  }
0x6b: {  	s1 =	simm.s32 @!p2 $0x1;
	[bflag:$0x0] =	sbarrier.arrive $0xFFFF  }
0x6c: {  	[hbm:s4], [sflag:s12] =	dma.local @!p2 [spmem:s13], $0x1E850  }
0x6d: {  	_ =	swait.ge @!p2 [sflag:s1], $0x1E850  }
0x6e: {  	[sflag:s1] =	ssyncset.done @!p2 $0x0  }
0x6f: {  	s2 =	simm.s32 @p1 $0x1C01;
	[sflag:s1] =	ssyncadd.s32 @!p2 $0xFFFE17B0;
	s1 =	simm.s32 @p1 $0x1  }
0x70: {  	[hbm:s3], [sflag:s2] =	dma.local @p1 [spmem:s11], $0x1E850  }
0x71: {  	_ =	swait.ge @p1 [sflag:s1], $0x1E850  }
0x72: {  	[sflag:s1] =	ssyncset.done @p1 $0x0  }
0x73: {  	[sflag:s1] =	ssyncadd.s32 @p1 $0xFFFE17B0  }
0x74: {  	_ =	sfence.sel $0x180000  }
0x75: {  	[bflag:$0x0] =	sbarrier.arrive $0xFFFF  }
0x76: {  	_ =	strace $0x90000047  }
0x77: {  	s0 =	sadd.s32 @!p0 $0x100000, s0;
	[bflag:$0x2] =	sbarrier.arrive $0xFFFF  }
0x78: {  	[sflag:s0] =	ssyncadd.tile.s32 @!p0 $0x1;
	_ =	shalt  }
.Lfunc_end2:
_tile_overlayer_lowered:
.L_overlay_start_2:
0x79: {  	(tag) =	ssettag $0x2  }
0x7a: {  	s0 =	rddreg [dreg:$0x0];
	s2 =	stileid.u32  }
0x7b: {  	s1 =	rddreg [dreg:$0x1];
	p0 =	sne.s32 s2, $0x0  }
0x7c: {  	s3 =	rddreg [dreg:$0x2];
	[bflag:$0x3] =	sbarrier.arrive $0xFFFF;
	s2 =	simm.s32 @!p0 $0x1C01  }
0x7d: {  	[timem:s3], [sflag:s2] =	dma.local @!p0 [hbm:s0], s1  }
0x7e: {  	s0 =	simm.s32 @!p0 $0x1  }
0x7f: {  	_ =	swait.ge @!p0 [sflag:s0], s1  }
0x80: {  	s1 =	ssub.s32 @!p0 $0x0, s1;
	[sflag:s0] =	ssyncset.done @!p0 $0x0  }
0x81: {  	[sflag:s0] =	ssyncadd.s32 @!p0 s1  }
0x82: {  	[bflag:$0x3] =	sbarrier.arrive $0xFFFF  }
0x83: {  	_ =	shalt  }

</sc_bundles>
